<compile_context>
chip_gen: v7x
topology: tpu7x:2x2x1
jax: 0.10.2.dev20260603
libtpu: 0.0.44.dev20260713+nightly
codegen_flags: <defaults>
</compile_context>

<pallas_src>
import functools

import jax
import jax.numpy as jnp
from jax import lax
from jax.experimental import pallas as pl
from jax.experimental.pallas import tpu as pltpu
from jax.experimental.pallas import tpu_sc as plsc

_BATCH = 16384
_K = 16
_NC = 2
_NS = 16
_NW = _NC * _NS
_BPW = _BATCH // _NW
_CHUNK = 128
_NCHUNK = _BPW // _CHUNK

_mesh = plsc.VectorSubcoreMesh(core_axis_name="c", subcore_axis_name="s")


@functools.partial(
    pl.kernel,
    mesh=_mesh,
    compiler_params=pltpu.CompilerParams(use_tc_tiling_on_sc=False),
    out_type=jax.ShapeDtypeStruct((_NW, _K), jnp.float32),
    scratch_types=[
        pltpu.VMEM((_NCHUNK, _CHUNK), jnp.int32),
        pltpu.VMEM((_BPW, _K), jnp.float32),
        pltpu.VMEM((_BPW, _K), jnp.float32),
        pltpu.VMEM((_K,), jnp.float32),
        pltpu.SemaphoreType.DMA,
        pltpu.SemaphoreType.DMA,
    ],
)
def _sc_loss(emb_hbm, idx_hbm, table_hbm, out_hbm,
             idx_v, rows_v, emb_v, acc_v, gsem, esem):
    wid = lax.axis_index("s") * _NC + lax.axis_index("c")
    base = wid * _BPW

    pltpu.sync_copy(idx_hbm.at[wid], idx_v)
    emb_cp = pltpu.async_copy(emb_hbm.at[pl.ds(base, _BPW)], emb_v, esem)
    gathers = []
    for j in range(_NCHUNK):
        gathers.append(
            pltpu.async_copy(
                table_hbm.at[idx_v.at[j]],
                rows_v.at[pl.ds(j * _CHUNK, _CHUNK)],
                gsem,
            )
        )
    emb_cp.wait()
    for cp in gathers:
        cp.wait()

    def body(i, acc):
        d = emb_v[i, :] - rows_v[i, :]
        return acc + d * d

    acc = lax.fori_loop(0, _BPW, body, jnp.zeros((_K,), jnp.float32))
    acc_v[...] = acc
    pltpu.sync_copy(acc_v, out_hbm.at[wid])


def kernel(embeddings, labels, table):
    idx = (labels.astype(jnp.int32) - 1).reshape(_NW, _NCHUNK, _CHUNK)
    partials = _sc_loss(embeddings, idx, table)
    return jnp.sum(partials)

# --- scband reference (transcript-rebuilt; emitter-appended) ---
"""Pipeline reference for scband-mean-embedding-model-6682969112741 (READ-ONLY COPY).

The authoritative reference and input builder live on the scoring server;
editing this copy changes nothing except your own understanding.
"""

import jax, jax.numpy as jnp
import numpy as np

BATCH = 16384
NUM_LABELS = 1000000
K = 16

def setup_inputs(seed: int = 0) -> dict:
    key = jax.random.key(seed)
    k1, k2, k3 = jax.random.split(key, 3)
    # 'embeddings' stands in for child_model(images) output: float32[B, k]
    embeddings = jax.random.normal(k1, (BATCH, K), dtype=jnp.float32)
    # labels are 1-indexed in the original model (it does labels - 1)
    labels = jax.random.randint(k2, (BATCH,), 1, NUM_LABELS + 1, dtype=jnp.int64)
    # learned mean-embedding table: [num_labels, k]
    table = jax.random.normal(k3, (NUM_LABELS, K), dtype=jnp.float32) * 0.02
    return {"embeddings": embeddings, "labels": labels, "table": table}

def reference(embeddings, labels, table):
    # mean_embeddings = self.embedding(labels - 1)  -> gather from table
    mean_embeddings = jnp.take(table, labels - 1, axis=0)
    # sum(tf.reduce_sum(tf.square(emb - mean_emb), axis=1)) -> scalar total
    per_example = jnp.sum(jnp.square(embeddings - mean_embeddings), axis=1)
    loss = jnp.sum(per_example)
    return loss

if __name__ == "__main__":
    import jax
    _d = setup_inputs()
    print(jax.jit(kernel)(*tuple(_d.values())))

</pallas_src>

<mosaic_0001>
#map = affine_map<(d0, d1) -> (0, 0)>
#map1 = affine_map<(d0, d1) -> (0, 0, 0)>
module attributes {stable_mosaic.version = 14 : i64} {
  func.func @_sc_loss(%arg0: i32, %arg1: i32, %arg2: memref<16384x16xf32, #tpu.memory_space<hbm>>, %arg3: memref<32x4x128xi32, #tpu.memory_space<hbm>>, %arg4: memref<1000000x16xf32, #tpu.memory_space<hbm>>, %arg5: memref<32x16xf32, #tpu.memory_space<hbm>>, %arg6: memref<4x128xi32, #tpu.memory_space<vmem>>, %arg7: memref<512x16xf32, #tpu.memory_space<vmem>>, %arg8: memref<512x16xf32, #tpu.memory_space<vmem>>, %arg9: memref<16xf32, #tpu.memory_space<vmem>>, %arg10: memref<!tpu.dma_semaphore, #tpu.memory_space<semaphore_mem>>, %arg11: memref<!tpu.dma_semaphore, #tpu.memory_space<semaphore_mem>>) attributes {dimension_semantics = [#tpu.dimension_semantics<core_parallel>, #tpu.dimension_semantics<subcore_parallel>], iteration_bounds = array<i64: 2, 16>, scalar_prefetch = 0 : i64, scratch_operands = 6 : i64, tpu.core_type = #tpu.core_type<sc_vector_subcore>, window_params = [{transform_indices = #map}, {transform_indices = #map1}, {transform_indices = #map}, {transform_indices = #map}]} {
    %mul3A = arith.constant 2 : i32
    %mul3A_0 = arith.muli %arg1, %mul3A : i32
    %add3A = arith.addi %mul3A_0, %arg0 : i32
    %mul3A_1 = arith.constant 512 : i32
    %mul3A_2 = arith.muli %add3A, %mul3A_1 : i32
    "tpu.region"() ({
      %run_scoped3A = tpu.sem_alloc : memref<!tpu.dma_semaphore, #tpu.memory_space<semaphore_mem>>
      %dma_start3A_98 = arith.constant 0 : i32
      %dma_start3A_99 = arith.constant 0 : i32
      %dma_start3A_100 = tpu.memref_slice %arg3[%add3A, %dma_start3A_98, %dma_start3A_99] : memref<32x4x128xi32, #tpu.memory_space<hbm>> -> memref<1x4x128xi32, #tpu.memory_space<hbm>>
      %dma_start3A_101 = tpu.memref_squeeze %dma_start3A_100 : memref<1x4x128xi32, #tpu.memory_space<hbm>> -> memref<4x128xi32, #tpu.memory_space<hbm>>
      %dma_start3A_102 = arith.constant 0 : i32
      %dma_start3A_103 = arith.constant 0 : i32
      %dma_start3A_104 = tpu.memref_slice %arg3[%add3A, %dma_start3A_102, %dma_start3A_103] : memref<32x4x128xi32, #tpu.memory_space<hbm>> -> memref<1x4x128xi32, #tpu.memory_space<hbm>>
      %dma_start3A_105 = tpu.memref_squeeze %dma_start3A_104 : memref<1x4x128xi32, #tpu.memory_space<hbm>> -> memref<4x128xi32, #tpu.memory_space<hbm>>
      tpu.enqueue_dma source(%dma_start3A_105 : memref<4x128xi32, #tpu.memory_space<hbm>>) target(%arg6 : memref<4x128xi32, #tpu.memory_space<vmem>>) target_semaphore(%run_scoped3A : memref<!tpu.dma_semaphore, #tpu.memory_space<semaphore_mem>>)
      %dma_wait3A_106 = arith.constant 0 : i32
      %dma_wait3A_107 = arith.constant 0 : i32
      %dma_wait3A_108 = tpu.memref_slice %arg3[%add3A, %dma_wait3A_106, %dma_wait3A_107] : memref<32x4x128xi32, #tpu.memory_space<hbm>> -> memref<1x4x128xi32, #tpu.memory_space<hbm>>
      %dma_wait3A_109 = tpu.memref_squeeze %dma_wait3A_108 : memref<1x4x128xi32, #tpu.memory_space<hbm>> -> memref<4x128xi32, #tpu.memory_space<hbm>>
      %dma_wait3A_110 = arith.constant 0 : i32
      %dma_wait3A_111 = arith.constant 0 : i32
      %dma_wait3A_112 = tpu.memref_slice %arg3[%add3A, %dma_wait3A_110, %dma_wait3A_111] : memref<32x4x128xi32, #tpu.memory_space<hbm>> -> memref<1x4x128xi32, #tpu.memory_space<hbm>>
      %dma_wait3A_113 = tpu.memref_squeeze %dma_wait3A_112 : memref<1x4x128xi32, #tpu.memory_space<hbm>> -> memref<4x128xi32, #tpu.memory_space<hbm>>
      tpu.wait_dma2 semaphore(%run_scoped3A : memref<!tpu.dma_semaphore, #tpu.memory_space<semaphore_mem>>) src(%dma_wait3A_113 : memref<4x128xi32, #tpu.memory_space<hbm>>) dst(%arg6 : memref<4x128xi32, #tpu.memory_space<vmem>>)
      tpu.yield
    }) : () -> ()
    %dma_start3A = arith.constant 0 : i32
    %dma_start3A_3 = tpu.memref_slice %arg2[%mul3A_2, %dma_start3A] : memref<16384x16xf32, #tpu.memory_space<hbm>> -> memref<512x16xf32, #tpu.memory_space<hbm>>
    %dma_start3A_4 = arith.constant 0 : i32
    %dma_start3A_5 = tpu.memref_slice %arg2[%mul3A_2, %dma_start3A_4] : memref<16384x16xf32, #tpu.memory_space<hbm>> -> memref<512x16xf32, #tpu.memory_space<hbm>>
    tpu.enqueue_dma source(%dma_start3A_5 : memref<512x16xf32, #tpu.memory_space<hbm>>) target(%arg8 : memref<512x16xf32, #tpu.memory_space<vmem>>) target_semaphore(%arg11 : memref<!tpu.dma_semaphore, #tpu.memory_space<semaphore_mem>>)
    %dma_start3A_6 = arith.constant 0 : i32
    %dma_start3A_7 = arith.constant 0 : i32
    %dma_start3A_8 = arith.constant 0 : i32
    %dma_start3A_9 = tpu.memref_slice %arg7[%dma_start3A_7, %dma_start3A_8] : memref<512x16xf32, #tpu.memory_space<vmem>> -> memref<128x16xf32, #tpu.memory_space<vmem>>
    %dma_start3A_10 = arith.constant 0 : i32
    %dma_start3A_11 = tpu.memref_slice %arg6[%dma_start3A_6, %dma_start3A_10] : memref<4x128xi32, #tpu.memory_space<vmem>> -> memref<1x128xi32, #tpu.memory_space<vmem>>
    %dma_start3A_12 = tpu.memref_squeeze %dma_start3A_11 : memref<1x128xi32, #tpu.memory_space<vmem>> -> memref<128xi32, #tpu.memory_space<vmem>>
    %dma_start3A_13 = arith.constant 0 : i32
    %dma_start3A_14 = arith.constant 0 : i32
    %dma_start3A_15 = tpu.memref_slice %arg4[%dma_start3A_13, %dma_start3A_14] : memref<1000000x16xf32, #tpu.memory_space<hbm>> -> memref<1000000x16xf32, #tpu.memory_space<hbm>>
    tpu.enqueue_indirect_dma source(%dma_start3A_15 : memref<1000000x16xf32, #tpu.memory_space<hbm>>) target(%dma_start3A_9 : memref<128x16xf32, #tpu.memory_space<vmem>>) offsets(%dma_start3A_12 : memref<128xi32, #tpu.memory_space<vmem>>) semaphore(%arg10 : memref<!tpu.dma_semaphore, #tpu.memory_space<semaphore_mem>>)
    %dma_start3A_16 = arith.constant 1 : i32
    %dma_start3A_17 = arith.constant 128 : i32
    %dma_start3A_18 = arith.constant 0 : i32
    %dma_start3A_19 = tpu.memref_slice %arg7[%dma_start3A_17, %dma_start3A_18] : memref<512x16xf32, #tpu.memory_space<vmem>> -> memref<128x16xf32, #tpu.memory_space<vmem>>
    %dma_start3A_20 = arith.constant 0 : i32
    %dma_start3A_21 = tpu.memref_slice %arg6[%dma_start3A_16, %dma_start3A_20] : memref<4x128xi32, #tpu.memory_space<vmem>> -> memref<1x128xi32, #tpu.memory_space<vmem>>
    %dma_start3A_22 = tpu.memref_squeeze %dma_start3A_21 : memref<1x128xi32, #tpu.memory_space<vmem>> -> memref<128xi32, #tpu.memory_space<vmem>>
    %dma_start3A_23 = arith.constant 0 : i32
    %dma_start3A_24 = arith.constant 0 : i32
    %dma_start3A_25 = tpu.memref_slice %arg4[%dma_start3A_23, %dma_start3A_24] : memref<1000000x16xf32, #tpu.memory_space<hbm>> -> memref<1000000x16xf32, #tpu.memory_space<hbm>>
    tpu.enqueue_indirect_dma source(%dma_start3A_25 : memref<1000000x16xf32, #tpu.memory_space<hbm>>) target(%dma_start3A_19 : memref<128x16xf32, #tpu.memory_space<vmem>>) offsets(%dma_start3A_22 : memref<128xi32, #tpu.memory_space<vmem>>) semaphore(%arg10 : memref<!tpu.dma_semaphore, #tpu.memory_space<semaphore_mem>>)
    %dma_start3A_26 = arith.constant 2 : i32
    %dma_start3A_27 = arith.constant 256 : i32
    %dma_start3A_28 = arith.constant 0 : i32
    %dma_start3A_29 = tpu.memref_slice %arg7[%dma_start3A_27, %dma_start3A_28] : memref<512x16xf32, #tpu.memory_space<vmem>> -> memref<128x16xf32, #tpu.memory_space<vmem>>
    %dma_start3A_30 = arith.constant 0 : i32
    %dma_start3A_31 = tpu.memref_slice %arg6[%dma_start3A_26, %dma_start3A_30] : memref<4x128xi32, #tpu.memory_space<vmem>> -> memref<1x128xi32, #tpu.memory_space<vmem>>
    %dma_start3A_32 = tpu.memref_squeeze %dma_start3A_31 : memref<1x128xi32, #tpu.memory_space<vmem>> -> memref<128xi32, #tpu.memory_space<vmem>>
    %dma_start3A_33 = arith.constant 0 : i32
    %dma_start3A_34 = arith.constant 0 : i32
    %dma_start3A_35 = tpu.memref_slice %arg4[%dma_start3A_33, %dma_start3A_34] : memref<1000000x16xf32, #tpu.memory_space<hbm>> -> memref<1000000x16xf32, #tpu.memory_space<hbm>>
    tpu.enqueue_indirect_dma source(%dma_start3A_35 : memref<1000000x16xf32, #tpu.memory_space<hbm>>) target(%dma_start3A_29 : memref<128x16xf32, #tpu.memory_space<vmem>>) offsets(%dma_start3A_32 : memref<128xi32, #tpu.memory_space<vmem>>) semaphore(%arg10 : memref<!tpu.dma_semaphore, #tpu.memory_space<semaphore_mem>>)
    %dma_start3A_36 = arith.constant 3 : i32
    %dma_start3A_37 = arith.constant 384 : i32
    %dma_start3A_38 = arith.constant 0 : i32
    %dma_start3A_39 = tpu.memref_slice %arg7[%dma_start3A_37, %dma_start3A_38] : memref<512x16xf32, #tpu.memory_space<vmem>> -> memref<128x16xf32, #tpu.memory_space<vmem>>
    %dma_start3A_40 = arith.constant 0 : i32
    %dma_start3A_41 = tpu.memref_slice %arg6[%dma_start3A_36, %dma_start3A_40] : memref<4x128xi32, #tpu.memory_space<vmem>> -> memref<1x128xi32, #tpu.memory_space<vmem>>
    %dma_start3A_42 = tpu.memref_squeeze %dma_start3A_41 : memref<1x128xi32, #tpu.memory_space<vmem>> -> memref<128xi32, #tpu.memory_space<vmem>>
    %dma_start3A_43 = arith.constant 0 : i32
    %dma_start3A_44 = arith.constant 0 : i32
    %dma_start3A_45 = tpu.memref_slice %arg4[%dma_start3A_43, %dma_start3A_44] : memref<1000000x16xf32, #tpu.memory_space<hbm>> -> memref<1000000x16xf32, #tpu.memory_space<hbm>>
    tpu.enqueue_indirect_dma source(%dma_start3A_45 : memref<1000000x16xf32, #tpu.memory_space<hbm>>) target(%dma_start3A_39 : memref<128x16xf32, #tpu.memory_space<vmem>>) offsets(%dma_start3A_42 : memref<128xi32, #tpu.memory_space<vmem>>) semaphore(%arg10 : memref<!tpu.dma_semaphore, #tpu.memory_space<semaphore_mem>>)
    %dma_wait3A = arith.constant 0 : i32
    %dma_wait3A_46 = tpu.memref_slice %arg2[%mul3A_2, %dma_wait3A] : memref<16384x16xf32, #tpu.memory_space<hbm>> -> memref<512x16xf32, #tpu.memory_space<hbm>>
    %dma_wait3A_47 = arith.constant 0 : i32
    %dma_wait3A_48 = tpu.memref_slice %arg2[%mul3A_2, %dma_wait3A_47] : memref<16384x16xf32, #tpu.memory_space<hbm>> -> memref<512x16xf32, #tpu.memory_space<hbm>>
    tpu.wait_dma2 semaphore(%arg11 : memref<!tpu.dma_semaphore, #tpu.memory_space<semaphore_mem>>) src(%dma_wait3A_48 : memref<512x16xf32, #tpu.memory_space<hbm>>) dst(%arg8 : memref<512x16xf32, #tpu.memory_space<vmem>>)
    %dma_wait3A_49 = arith.constant 0 : i32
    %dma_wait3A_50 = arith.constant 0 : i32
    %dma_wait3A_51 = arith.constant 0 : i32
    %dma_wait3A_52 = tpu.memref_slice %arg7[%dma_wait3A_50, %dma_wait3A_51] : memref<512x16xf32, #tpu.memory_space<vmem>> -> memref<128x16xf32, #tpu.memory_space<vmem>>
    %dma_wait3A_53 = arith.constant 0 : i32
    %dma_wait3A_54 = tpu.memref_slice %arg6[%dma_wait3A_49, %dma_wait3A_53] : memref<4x128xi32, #tpu.memory_space<vmem>> -> memref<1x128xi32, #tpu.memory_space<vmem>>
    %dma_wait3A_55 = tpu.memref_squeeze %dma_wait3A_54 : memref<1x128xi32, #tpu.memory_space<vmem>> -> memref<128xi32, #tpu.memory_space<vmem>>
    %dma_wait3A_56 = arith.constant 0 : i32
    %dma_wait3A_57 = arith.constant 0 : i32
    %dma_wait3A_58 = tpu.memref_slice %arg4[%dma_wait3A_56, %dma_wait3A_57] : memref<1000000x16xf32, #tpu.memory_space<hbm>> -> memref<1000000x16xf32, #tpu.memory_space<hbm>>
    tpu.wait_indirect_dma semaphore(%arg10 : memref<!tpu.dma_semaphore, #tpu.memory_space<semaphore_mem>>) src(%dma_wait3A_58 : memref<1000000x16xf32, #tpu.memory_space<hbm>>) dst(%dma_wait3A_52 : memref<128x16xf32, #tpu.memory_space<vmem>>)
    %dma_wait3A_59 = arith.constant 1 : i32
    %dma_wait3A_60 = arith.constant 128 : i32
    %dma_wait3A_61 = arith.constant 0 : i32
    %dma_wait3A_62 = tpu.memref_slice %arg7[%dma_wait3A_60, %dma_wait3A_61] : memref<512x16xf32, #tpu.memory_space<vmem>> -> memref<128x16xf32, #tpu.memory_space<vmem>>
    %dma_wait3A_63 = arith.constant 0 : i32
    %dma_wait3A_64 = tpu.memref_slice %arg6[%dma_wait3A_59, %dma_wait3A_63] : memref<4x128xi32, #tpu.memory_space<vmem>> -> memref<1x128xi32, #tpu.memory_space<vmem>>
    %dma_wait3A_65 = tpu.memref_squeeze %dma_wait3A_64 : memref<1x128xi32, #tpu.memory_space<vmem>> -> memref<128xi32, #tpu.memory_space<vmem>>
    %dma_wait3A_66 = arith.constant 0 : i32
    %dma_wait3A_67 = arith.constant 0 : i32
    %dma_wait3A_68 = tpu.memref_slice %arg4[%dma_wait3A_66, %dma_wait3A_67] : memref<1000000x16xf32, #tpu.memory_space<hbm>> -> memref<1000000x16xf32, #tpu.memory_space<hbm>>
    tpu.wait_indirect_dma semaphore(%arg10 : memref<!tpu.dma_semaphore, #tpu.memory_space<semaphore_mem>>) src(%dma_wait3A_68 : memref<1000000x16xf32, #tpu.memory_space<hbm>>) dst(%dma_wait3A_62 : memref<128x16xf32, #tpu.memory_space<vmem>>)
    %dma_wait3A_69 = arith.constant 2 : i32
    %dma_wait3A_70 = arith.constant 256 : i32
    %dma_wait3A_71 = arith.constant 0 : i32
    %dma_wait3A_72 = tpu.memref_slice %arg7[%dma_wait3A_70, %dma_wait3A_71] : memref<512x16xf32, #tpu.memory_space<vmem>> -> memref<128x16xf32, #tpu.memory_space<vmem>>
    %dma_wait3A_73 = arith.constant 0 : i32
    %dma_wait3A_74 = tpu.memref_slice %arg6[%dma_wait3A_69, %dma_wait3A_73] : memref<4x128xi32, #tpu.memory_space<vmem>> -> memref<1x128xi32, #tpu.memory_space<vmem>>
    %dma_wait3A_75 = tpu.memref_squeeze %dma_wait3A_74 : memref<1x128xi32, #tpu.memory_space<vmem>> -> memref<128xi32, #tpu.memory_space<vmem>>
    %dma_wait3A_76 = arith.constant 0 : i32
    %dma_wait3A_77 = arith.constant 0 : i32
    %dma_wait3A_78 = tpu.memref_slice %arg4[%dma_wait3A_76, %dma_wait3A_77] : memref<1000000x16xf32, #tpu.memory_space<hbm>> -> memref<1000000x16xf32, #tpu.memory_space<hbm>>
    tpu.wait_indirect_dma semaphore(%arg10 : memref<!tpu.dma_semaphore, #tpu.memory_space<semaphore_mem>>) src(%dma_wait3A_78 : memref<1000000x16xf32, #tpu.memory_space<hbm>>) dst(%dma_wait3A_72 : memref<128x16xf32, #tpu.memory_space<vmem>>)
    %dma_wait3A_79 = arith.constant 3 : i32
    %dma_wait3A_80 = arith.constant 384 : i32
    %dma_wait3A_81 = arith.constant 0 : i32
    %dma_wait3A_82 = tpu.memref_slice %arg7[%dma_wait3A_80, %dma_wait3A_81] : memref<512x16xf32, #tpu.memory_space<vmem>> -> memref<128x16xf32, #tpu.memory_space<vmem>>
    %dma_wait3A_83 = arith.constant 0 : i32
    %dma_wait3A_84 = tpu.memref_slice %arg6[%dma_wait3A_79, %dma_wait3A_83] : memref<4x128xi32, #tpu.memory_space<vmem>> -> memref<1x128xi32, #tpu.memory_space<vmem>>
    %dma_wait3A_85 = tpu.memref_squeeze %dma_wait3A_84 : memref<1x128xi32, #tpu.memory_space<vmem>> -> memref<128xi32, #tpu.memory_space<vmem>>
    %dma_wait3A_86 = arith.constant 0 : i32
    %dma_wait3A_87 = arith.constant 0 : i32
    %dma_wait3A_88 = tpu.memref_slice %arg4[%dma_wait3A_86, %dma_wait3A_87] : memref<1000000x16xf32, #tpu.memory_space<hbm>> -> memref<1000000x16xf32, #tpu.memory_space<hbm>>
    tpu.wait_indirect_dma semaphore(%arg10 : memref<!tpu.dma_semaphore, #tpu.memory_space<semaphore_mem>>) src(%dma_wait3A_88 : memref<1000000x16xf32, #tpu.memory_space<hbm>>) dst(%dma_wait3A_82 : memref<128x16xf32, #tpu.memory_space<vmem>>)
    %broadcast_in_dim3A = arith.constant 0.000000e+00 : f32
    %broadcast_in_dim3A_89 = vector.broadcast %broadcast_in_dim3A : f32 to vector<16xf32>
    %scan3A = arith.constant 0 : i32
    %scan3A_90 = arith.constant 512 : i32
    %scan3A_91 = arith.addi %scan3A, %scan3A_90 : i32
    %scan3A_92 = arith.constant 1 : i32
    %scan3A_93 = scf.for %scan3A_98 = %scan3A to %scan3A_91 step %scan3A_92 iter_args(%scan3A_99 = %broadcast_in_dim3A_89) -> (vector<16xf32>)  : i32 {
      %get3A = arith.index_cast %scan3A_98 : i32 to index
      %get3A_100 = arith.constant 0 : index
      %get3A_101 = tpu.vector_load %arg8[%get3A, %get3A_100] {strides = array<i32>} : memref<512x16xf32, #tpu.memory_space<vmem>>, vector<1x16xf32>,
      %get3A_102 = vector.shape_cast %get3A_101 : vector<1x16xf32> to vector<16xf32>
      %get3A_103 = arith.index_cast %scan3A_98 : i32 to index
      %get3A_104 = arith.constant 0 : index
      %get3A_105 = tpu.vector_load %arg7[%get3A_103, %get3A_104] {strides = array<i32>} : memref<512x16xf32, #tpu.memory_space<vmem>>, vector<1x16xf32>,
      %get3A_106 = vector.shape_cast %get3A_105 : vector<1x16xf32> to vector<16xf32>
      %sub3A = arith.subf %get3A_102, %get3A_106 : vector<16xf32>
      %mul3A_107 = arith.mulf %sub3A, %sub3A : vector<16xf32>
      %add3A_108 = arith.addf %scan3A_99, %mul3A_107 : vector<16xf32>
      scf.yield %add3A_108 : vector<16xf32>
    }
    %scan3A_94 = arith.constant 512 : i32
    %swap3A = arith.constant 0 : index
    %swap3A_95 = tpu.vector_load %arg9[%swap3A] {strides = array<i32>} : memref<16xf32, #tpu.memory_space<vmem>>, vector<16xf32>,
    %swap3A_96 = vector.shape_cast %swap3A_95 : vector<16xf32> to vector<16xf32>
    %swap3A_97 = vector.shape_cast %scan3A_93 : vector<16xf32> to vector<16xf32>
    tpu.vector_store %arg9[%swap3A], %swap3A_97 {strides = array<i32>} : memref<16xf32, #tpu.memory_space<vmem>>, vector<16xf32>,
    "tpu.region"() ({
      %run_scoped3A = tpu.sem_alloc : memref<!tpu.dma_semaphore, #tpu.memory_space<semaphore_mem>>
      %dma_start3A_98 = arith.constant 0 : i32
      %dma_start3A_99 = tpu.memref_slice %arg5[%add3A, %dma_start3A_98] : memref<32x16xf32, #tpu.memory_space<hbm>> -> memref<1x16xf32, #tpu.memory_space<hbm>>
      %dma_start3A_100 = tpu.memref_squeeze %dma_start3A_99 : memref<1x16xf32, #tpu.memory_space<hbm>> -> memref<16xf32, #tpu.memory_space<hbm>>
      %dma_start3A_101 = arith.constant 0 : i32
      %dma_start3A_102 = tpu.memref_slice %arg5[%add3A, %dma_start3A_101] : memref<32x16xf32, #tpu.memory_space<hbm>> -> memref<1x16xf32, #tpu.memory_space<hbm>>
      %dma_start3A_103 = tpu.memref_squeeze %dma_start3A_102 : memref<1x16xf32, #tpu.memory_space<hbm>> -> memref<16xf32, #tpu.memory_space<hbm>>
      tpu.enqueue_dma source(%arg9 : memref<16xf32, #tpu.memory_space<vmem>>) target(%dma_start3A_103 : memref<16xf32, #tpu.memory_space<hbm>>) target_semaphore(%run_scoped3A : memref<!tpu.dma_semaphore, #tpu.memory_space<semaphore_mem>>)
      %dma_wait3A_104 = arith.constant 0 : i32
      %dma_wait3A_105 = tpu.memref_slice %arg5[%add3A, %dma_wait3A_104] : memref<32x16xf32, #tpu.memory_space<hbm>> -> memref<1x16xf32, #tpu.memory_space<hbm>>
      %dma_wait3A_106 = tpu.memref_squeeze %dma_wait3A_105 : memref<1x16xf32, #tpu.memory_space<hbm>> -> memref<16xf32, #tpu.memory_space<hbm>>
      %dma_wait3A_107 = arith.constant 0 : i32
      %dma_wait3A_108 = tpu.memref_slice %arg5[%add3A, %dma_wait3A_107] : memref<32x16xf32, #tpu.memory_space<hbm>> -> memref<1x16xf32, #tpu.memory_space<hbm>>
      %dma_wait3A_109 = tpu.memref_squeeze %dma_wait3A_108 : memref<1x16xf32, #tpu.memory_space<hbm>> -> memref<16xf32, #tpu.memory_space<hbm>>
      tpu.wait_dma2 semaphore(%run_scoped3A : memref<!tpu.dma_semaphore, #tpu.memory_space<semaphore_mem>>) src(%arg9 : memref<16xf32, #tpu.memory_space<vmem>>) dst(%dma_wait3A_109 : memref<16xf32, #tpu.memory_space<hbm>>)
      tpu.yield
    }) : () -> ()
    return
  }
}

</mosaic_0001>

<sc_bundles>
// kernel: kernel.3.cloned.1.call-start
scs
__scs_entry_jumppad:
0x0: {  	(pc) =	sbr.rel $0x88, $3  }
0x1: {  	(tag) =	ssettag $0x0;
	lr =	simm.s32 $0x1  }
0x2: {  	[smem:$0x3F9E] =	sst lr;
	_ =	strace $0xD0000000  }
0x3: {  	_ = 	snop  }
0x4: {  	_ = 	snop  }
0x5: {  	_ = 	snop  }
0x6: {  	_ = 	snop  }
0x7: {  	_ = 	snop  }
__scs_overlays_trampoline_lowered:
0x8: {  	[smem:$0x3FAD] =	sst s0  }
0x9: {  	[smem:$0x3FAE] =	sst s1  }
0xa: {  	[smem:$0x3FAF] =	sst s2  }
0xb: {  	[smem:$0x3FB0] =	sst s3  }
0xc: {  	[smem:$0x3FB1] =	sst s4  }
0xd: {  	[smem:$0x3FB2] =	sst s5  }
0xe: {  	[smem:$0x3FB3] =	sst s6  }
0xf: {  	[smem:$0x3FB4] =	sst s7  }
0x10: {  	[smem:$0x3FB5] =	sst s8  }
0x11: {  	[smem:$0x3FB6] =	sst s9;
	s0 =	simm.s32 @!p0 $0x0  }
0x12: {  	s1 =	sld [smem:$0x3F9C];
	s0 =	simm.s32 @p0 $0x1  }
0x13: {  	[smem:$0x3FB7] =	sst s0;
	s0 =	simm.s32 @!p1 $0x0  }
0x14: {  	s2 =	sld [smem:$0x3F9B];
	s0 =	simm.s32 @p1 $0x1  }
0x15: {  	[smem:$0x3FB8] =	sst s0;
	s0 =	simm.s32 @!p2 $0x0  }
0x16: {  	s3 =	sld [smem:$0x3FDB];
	s0 =	simm.s32 @p2 $0x1  }
0x17: {  	s4 =	simm.s32 $0x1BF5;
	[smem:$0x3FBA] =	sst s0  }
0x18: {  	s0 =	sld [smem:$0x3F9D];
	_ =	swait.ge [sflag:s4], $0x0  }
0x19: {  	s7 =	sld [smem:$0x3F9E]  }
0x1a: {  	s8 =	sadd.s32 $0xFFFFE003, lr  }
0x1b: {  	s9 =	sadd.s32 $0xFFFFFEF7, lr;
	s5 =	simm.s32 $0xFFFFFFFF;
	p2 =	slt.u32 s8, $0xFFFFF086  }
0x1c: {  	p1 =	slt.u32 s9, $0xF7A;
	s5 =	simm.s32 @!p2 $0x0  }
0x1d: {  	s5 =	simm.s32 @p1 $0x1;
	p0 =	seq.s32 s7, s2  }
0x1e: {  	s7 =	smul.u32 @!p0 $0xF7A, s2;
	p2 =	seq.s32 @!p0 s5, $0x0  }
0x1f: {  	s9 =	smul.u32 $0xF7A, s1;
	s8 =	simm.s32 @!p0 $0x1BF5;
	p2 =	por !p2, p0  }
0x20: {  	[sflag:s8] =	ssyncset.s32 @!p0 $0xFFFFF086;
	s6 =	sadd.s32 @!p0 s3, s7;
	s7 =	simm.s32 @!p0 $0x108  }
0x21: {  	s3 =	sadd.s32 s3, s9;
	s6 =	sadd.s32 @!p0 $0x88, s6;
	s7 =	simm.s32 @p2 $0x1082  }
0x22: {  	[simem:s7], [sflag:s8] =	dma.local @!p0 [hbm:s6], $0xF7A  }
0x23: {  	s9 =	sor.u32 $0xD0000000, s2;
	s6 =	simm.s32 $0x108;
	_ =	swait.ge @!p0 [sflag:s8], $0x0  }
0x24: {  	s3 =	sadd.s32 $0x88, s3;
	s6 =	simm.s32 @!p1 $0x1082;
	[sflag:s4] =	ssyncset.s32 $0xFFFFF086  }
0x25: {  	[simem:s6], [sflag:s4] =	dma.local [hbm:s3], $0xF7A  }
0x26: {  	[smem:$0x3F9E] =	sst s1;
	(tag) =	ssettag s2;
	_ =	strace s9  }
0x27: {  	s1 =	sld [smem:$0x3FAE]  }
0x28: {  	s2 =	sld [smem:$0x3FAF]  }
0x29: {  	s4 =	sld [smem:$0x3FB1]  }
0x2a: {  	p0 =	seq.s32 s5, $0x0;
	s5 =	sld [smem:$0x3FB2]  }
0x2b: {  	s6 =	sld [smem:$0x3FB3]  }
0x2c: {  	s7 =	sld [smem:$0x3FB4]  }
0x2d: {  	s3 =	simm.s32 $0x108;
	s8 =	sld [smem:$0x3FB5]  }
0x2e: {  	s3 =	simm.s32 @!p0 $0x1082;
	s9 =	sld [smem:$0x3FB6]  }
0x2f: {  	lr =	sadd.s32 s0, s3;
	s0 =	sld [smem:$0x3FAD]  }
0x30: {  	s3 =	sld [smem:$0x3FB0]  }
0x31: {  	[smem:$0x3FB9] =	sst s10  }
0x32: {  	s10 =	sld [smem:$0x3FB7];
	_ =	sdelay $0x3  }
0x33: {  	p0 =	seq.s32 s10, $0x1;
	s10 =	sld [smem:$0x3FB9];
	_ =	sdelay $0x3  }
0x34: {  	[smem:$0x3FB9] =	sst s10  }
0x35: {  	s10 =	sld [smem:$0x3FB8];
	_ =	sdelay $0x3  }
0x36: {  	p1 =	seq.s32 s10, $0x1;
	s10 =	sld [smem:$0x3FB9];
	_ =	sdelay $0x3  }
0x37: {  	[smem:$0x3FB9] =	sst s10  }
0x38: {  	s10 =	sld [smem:$0x3FBA]  }
0x39: {  	_ = 	snop;
	(pc) =	sbr.ind lr, $3  }
0x3a: {  	_ = 	snop  }
0x3b: {  	_ = 	snop  }
0x3c: {  	p2 =	seq.s32 s10, $0x1;
	s10 =	sld [smem:$0x3FB9]  }
0x3d: {  	_ =	shalt  }
0x3e: {  	_ =	shalt  }
0x3f: {  	_ =	shalt  }
0x40: {  	_ =	shalt  }
0x41: {  	_ =	shalt  }
0x42: {  	_ =	shalt  }
0x43: {  	_ =	shalt  }
0x44: {  	_ =	shalt  }
0x45: {  	_ =	shalt  }
0x46: {  	_ =	shalt  }
0x47: {  	_ =	shalt  }
0x48: {  	_ =	shalt  }
0x49: {  	_ =	shalt  }
0x4a: {  	_ =	shalt  }
0x4b: {  	_ =	shalt  }
0x4c: {  	_ =	shalt  }
0x4d: {  	_ =	shalt  }
0x4e: {  	_ =	shalt  }
0x4f: {  	_ =	shalt  }
0x50: {  	_ =	shalt  }
0x51: {  	_ =	shalt  }
0x52: {  	_ =	shalt  }
0x53: {  	_ =	shalt  }
0x54: {  	_ =	shalt  }
0x55: {  	_ =	shalt  }
0x56: {  	_ =	shalt  }
0x57: {  	_ =	shalt  }
0x58: {  	_ =	shalt  }
0x59: {  	_ =	shalt  }
0x5a: {  	_ =	shalt  }
0x5b: {  	_ =	shalt  }
0x5c: {  	_ =	shalt  }
0x5d: {  	_ =	shalt  }
0x5e: {  	_ =	shalt  }
0x5f: {  	_ =	shalt  }
0x60: {  	_ =	shalt  }
0x61: {  	_ =	shalt  }
0x62: {  	_ =	shalt  }
0x63: {  	_ =	shalt  }
0x64: {  	_ =	shalt  }
0x65: {  	_ =	shalt  }
0x66: {  	_ =	shalt  }
0x67: {  	_ =	shalt  }
0x68: {  	_ =	shalt  }
0x69: {  	_ =	shalt  }
0x6a: {  	_ =	shalt  }
0x6b: {  	_ =	shalt  }
0x6c: {  	_ =	shalt  }
0x6d: {  	_ =	shalt  }
0x6e: {  	_ =	shalt  }
0x6f: {  	_ =	shalt  }
0x70: {  	_ =	shalt  }
0x71: {  	_ =	shalt  }
0x72: {  	_ =	shalt  }
0x73: {  	_ =	shalt  }
0x74: {  	_ =	shalt  }
0x75: {  	_ =	shalt  }
0x76: {  	_ =	shalt  }
0x77: {  	_ =	shalt  }
0x78: {  	_ =	shalt  }
0x79: {  	_ =	shalt  }
0x7a: {  	_ =	shalt  }
0x7b: {  	_ =	shalt  }
0x7c: {  	_ =	shalt  }
0x7d: {  	_ =	shalt  }
0x7e: {  	_ =	shalt  }
0x7f: {  	_ =	shalt  }
0x80: {  	_ =	shalt  }
0x81: {  	_ =	shalt  }
0x82: {  	_ =	shalt  }
0x83: {  	_ =	shalt  }
0x84: {  	_ =	shalt  }
0x85: {  	_ =	shalt  }
0x86: {  	_ =	shalt  }
0x87: {  	_ =	shalt  }
.Lfunc_end0:
.L_simem_size_0:
called_computation_lowered:
.L_overlay_start_0:
0x88: {  	s2 =	sld [smem:$0x3FD9]  }
0x89: {  	s3 =	sld [smem:$0x3FFE];
	_ =	sdelay $0x1  }
0x8a: {  	s1 =	srdreg.scid  }
0x8b: {  	s0 =	sand.u32 $0x1, s1  }
0x8c: {  	s16 =	sshll.u32 s0, $0xA;
	s2 =	sadd.s32 s3, s2  }
0x8d: {  	s2 =	sadd.s32 s2, s16  }
0x8e: {  	[smem:$0x3FC5] =	sst s2  }
0x8f: {  	_ = 	snop  }
0x90: {  	(tm) =	ssettm $0x1  }
0x91: {  	s17 =	sld [smem:$0x3FFB];
	_ =	sdelay $0x3  }
0x92: {  	_ =	strace s17  }
0x93: {  	s2 =	sld [smem:$0x3FFC];
	_ =	sdelay $0x3  }
0x94: {  	_ =	strace s2  }
0x95: {  	s2 =	sld [smem:$0x3FFD];
	_ =	sdelay $0x3  }
0x96: {  	_ =	strace s2  }
0x97: {  	_ =	strace $0x8FFFFFFF  }
0x98: {  	s18 =	sld [smem:$0x3FDB];
	_ =	sdelay $0x1  }
0x99: {  	s19 =	simm.s32 $_scs_section_size  }
0x9a: {  	s4 =	simm.s32 $_size__tile_overlayer_lowered;
	s5 =	simm.s32 $_tile_overlayer_lowered  }
0x9b: {  	s22 =	simm.s32 $0x1BFF;
	s21 =	sshll.u32 s5, $0x1;
	s2 =	sadd.s32 s19, s18  }
0x9c: {  	s6 =	simm.s32 $0x0;
	s20 =	sshll.u32 s4, $0x1;
	s4 =	sadd.s32 s21, s2  }
0x9d: {  	[timem:s6], [sflag:s22] =	dma.local [hbm:s4], s20  }
0x9e: {  	_ =	swait.ge [sflag:s22], s20  }
0x9f: {  	s3 =	ssub.s32 $0x0, s20;
	[sflag:s22] =	ssyncset.done $0x0  }
0xa0: {  	[sflag:s22] =	ssyncadd.s32 s3;
	_ =	sdelay $0x1  }
0xa1: {  	s23 =	simm.s32 $0x1B8B  }
0xa2: {  	_ =	swait.ge [sflag:s23], $0x1  }
0xa3: {  	[sflag:s23] =	ssyncset.done $0x0  }
0xa4: {  	s25 =	simm.s32 $0x1B8E;
	s24 =	sld [smem:$0x3FFE];
	[sflag:s23] =	ssyncadd.s32 $0xFFFFFFFF  }
0xa5: {  	s26 =	simm.s32 $execute0_lowered;
	[smem:$0x3FD2] =	sst s25  }
0xa6: {  	s4 =	sshll.u32 s26, $0x1;
	_ =	strace $0x80000046;
	[dreg:$0x1] =	wrdreg $0xFFFFFFFF  }
0xa7: {  	s28 =	simm.s32 $_size_execute0_lowered;
	s2 =	sadd.s32 s2, s4;
	[dreg:$0x0] =	wrdreg $0x0  }
0xa8: {  	s4 =	sshll.u32 s28, $0x1;
	[dreg:$0x2] =	wrdreg s2  }
0xa9: {  	[dreg:$0x3] =	wrdreg s4  }
0xaa: {  	[dreg:$0x4] =	wrdreg $0xC0  }
0xab: {  	_ =	task [dreg:s6], $0x5FFFF  }
0xac: {  	[dreg:$0x1] =	wrdreg $0xFFFFFFFF  }
0xad: {  	[dreg:$0x0] =	wrdreg $0x60  }
0xae: {  	[dreg:$0x2] =	wrdreg s24  }
0xaf: {  	[dreg:$0x3] =	wrdreg $0x9  }
0xb0: {  	_ =	task.clear_ibuf [dreg:s6], $0x4FFFF;
	_ =	strace $0x90000046  }
0xb1: {  	s29 =	simm.s32 $0x9;
	_ =	strace $0x80000048  }
0xb2: {  	_ =	swait.ge [sflag:s29], $0x1  }
0xb3: {  	[sflag:s29] =	ssyncadd.s32 $0xFFFFFFFF  }
0xb4: {  	_ =	strace $0x90000048  }
0xb5: {  	_ =	sfence  }
0xb6: {  	s30 =	sld [smem:$0x0];
	_ =	sdelay $0x2  }
0xb7: {  	s31 =	sshll.u32 s1, $0xD;
	s1 =	sshrl.u32 s1, $0x2  }
0xb8: {  	s3 =	sand.u32 $0x4000, s31;
	s1 =	sadd.s32 s1, s30  }
0xb9: {  	s0 =	sor.u32 s3, s0;
	s1 =	sshll.u32 s1, $0x11  }
0xba: {  	s0 =	sor.u32 s1, s0  }
0xbb: {  	s0 =	sadd.s32 $0x8F2B, s0  }
0xbc: {  	[sflag:s0] =	ssyncadd.remote.s32 $0x1  }
0xbd: {  	_ =	sfence.sel $0xFFFF  }
0xbe: {  	[dreg:$0x0] =	wrdreg $0xFFFFFFFF;
	(pc) =	sbr.abs _section_cstart, $3  }
0xbf: {  	[dreg:$0x1] =	wrdreg $0xFFFFFFFF  }
0xc0: {  	_ =	task.clear_ibuf [dreg:s6], $0x2FFFF;
	_ =	strace $0x9FFFFFFF  }
0xc1: {  	(tm) =	ssettm $0x7FFFFFFF  }
tec
execute0_lowered:
.L_overlay_start_1:
0x0: {  	(tag) =	ssettag $0x1  }
0x1: {  	s1 =	srdreg.scid  }
0x2: {  	s0 =	stileid.u32;
	s4 =	rddreg [dreg:$0x0];
	s2 =	simm.s32 $0x0  }
0x3: {  	s10 =	simm.s32 $0x80;
	s11 =	simm.s32 $0x200;
	s12 =	simm.s32 $0xA00  }
0x4: {  	s13 =	simm.s32 $0x100;
	s14 =	simm.s32 $0x1200;
	s15 =	simm.s32 $0x180  }
0x5: {  	s16 =	simm.s32 $0x1A00;
	s17 =	simm.s32 $0x2;
	s18 =	simm.s32 $0x1  }
0x6: {  	s19 =	simm.s32 $0x4200;
	s3 =	sand.u32 $0x1, s1;
	s1 =	rddreg [dreg:$0x1]  }
0x7: {  	s20 =	simm.s32 $0x0;
	s5 =	sshll.u32 s0, $0x1;
	[smem:$0x7FF] =	sst s2  }
0x8: {  	s5 =	sor.u32 s3, s5;
	_ =	strace $0x80000047;
	s8 =	ssub.s32 $0x2, s3  }
0x9: {  	s3 =	sadd.s32 $0xF42800, s4;
	s6 =	sshll.u32 s5, $0xA;
	s7 =	sshll.u32 s5, $0x6  }
0xa: {  	s5 =	sshll.u32 s5, $0x1;
	s31 =	sshrl.u32 s8, $0x1;
	s6 =	sadd.s32 s6, s4  }
0xb: {  	s7 =	sadd.s32 s7, s4;
	s9 =	sadd.s32 s5, s4;
	s8 =	ssub.s32 s8, s31  }
0xc: {  	s4 =	sadd.s32 $0x8400, s7;
	s5 =	sadd.s32 $0x400, s6;
	s6 =	sadd.s32 $0x8C00, s9  }
0xd: {  	s7 =	smax.u32 s8, $0x1;
	s8 =	simm.s32 $0x3;
	s9 =	simm.s32 $0x2200  }
.LBB2_1:
0xe: {  	[tilespmem:s2], [sflag:$0x3] =	stream.linear.gather [hbm4b:s4+s2], $0x200, $0x38;
	[tilespmem:$0x4210] =	vst v63  }
0xf: {  	_ =	swait.ge [sflag:s8], $0x200  }
0x10: {  	[sflag:s8] =	ssyncset.done $0x0  }
0x11: {  	[sflag:s8] =	ssyncadd.s32 $0xFFFFFE00  }
0x12: {  	[tilespmem:s9], [sflag:$0x2] =	stream.linear.gather [hbm4b:s5+s2], $0x2000, $0x38;
	[tilespmem:$0x4210] =	vst v63  }
0x13: {  	_ = 	snop  }
0x14: {  	[tilespmem:s11], [sflag:$0x1] =	stream.indirect.gather [hbm4b:s3+s10], $0x10, s2, s10, $0xb8;
	[tilespmem:$0x4210] =	vst v63  }
0x15: {  	_ = 	snop  }
0x16: {  	[tilespmem:s12], [sflag:$0x1] =	stream.indirect.gather [hbm4b:s3+s10], $0x10, s10, s10, $0xb8;
	[tilespmem:$0x4210] =	vst v63  }
0x17: {  	_ = 	snop  }
0x18: {  	[tilespmem:s14], [sflag:$0x1] =	stream.indirect.gather [hbm4b:s3+s10], $0x10, s13, s10, $0xb8;
	[tilespmem:$0x4210] =	vst v63  }
0x19: {  	_ = 	snop  }
0x1a: {  	[tilespmem:s16], [sflag:$0x1] =	stream.indirect.gather [hbm4b:s3+s10], $0x10, s15, s10, $0xb8;
	[tilespmem:$0x4210] =	vst v63  }
0x1b: {  	_ =	swait.ge [sflag:s17], $0x2000  }
0x1c: {  	[sflag:s17] =	ssyncset.done $0x0  }
0x1d: {  	[sflag:s17] =	ssyncadd.s32 $0xFFFFE000  }
0x1e: {  	_ =	swait.ge [sflag:s18], $0x800  }
0x1f: {  	[sflag:s18] =	ssyncset.done $0x0  }
0x20: {  	[sflag:s18] =	ssyncadd.s32 $0xFFFFF800  }
0x21: {  	_ =	swait.ge [sflag:s18], $0x800  }
0x22: {  	[sflag:s18] =	ssyncset.done $0x0  }
0x23: {  	[sflag:s18] =	ssyncadd.s32 $0xFFFFF800  }
0x24: {  	_ =	swait.ge [sflag:s18], $0x800  }
0x25: {  	[sflag:s18] =	ssyncset.done $0x0  }
0x26: {  	[sflag:s18] =	ssyncadd.s32 $0xFFFFF800  }
0x27: {  	_ =	swait.ge [sflag:s18], $0x800  }
0x28: {  	[sflag:s18] =	ssyncset.done $0x0  }
0x29: {  	s22 =	simm.s32 $0x0;
	[sflag:s18] =	ssyncadd.s32 $0xFFFFF800  }
0x2a: {  	v1 =	vld [tilespmem:s22+$0x2200]  }
0x2b: {  	v2 =	vld [tilespmem:s22+$0x200];
	_ =	sdelay $0x2  }
0x2c: {  	v0 =	vimm.f32 $0.0e+00;
	s21 =	simm.s32 $0x40  }
.LBB2_2:
0x2d: {  	s22 =	sshra.s32 s21, $0x2;
	p0 =	sne.s32 s21, $0x7FC0  }
.Ltmp0:
0x2e: {  	s21 =	sadd.s32 $0x40, s21;
	v3 =	vsub.f32 v1, v2;
	v1 =	vld [tilespmem:s22+$0x2200];
	(pc) =	sbr.rel @p0 .LBB2_2-.Ltmp0, $3  }
0x2f: {  	v2 =	vld [tilespmem:s22+$0x200]  }
0x30: {  	v3 =	vmul.f32 v3, v3;
	_ =	sdelay $0x1  }
0x31: {  	v0 =	vadd.f32 v3, v0  }
0x32: {  	_ = 	snop  }
0x33: {  	v1 =	vsub.f32 v1, v2;
	_ =	sdelay $0x1  }
0x34: {  	v1 =	vmul.f32 v1, v1;
	_ =	sdelay $0x1  }
0x35: {  	s20 =	sadd.s32 $0x1, s20;
	v0 =	vadd.f32 v1, v0  }
0x36: {  	p0 =	sne.s32 s20, s7  }
.Ltmp1:
0x37: {  	[tilespmem:$0x4200] =	vst v0;
	(pc) =	sbr.rel @p0 .LBB2_1-.Ltmp1, $4  }
0x38: {  	[hbm4b:s6+s2] =	stream.linear.scatter [tilespmem:s19], [sflag:$0x3], $0x10, $0x38;
	[tilespmem:$0x4210] =	vst v63  }
0x39: {  	_ =	swait.ge [sflag:s8], $0x10  }
0x3a: {  	[sflag:s8] =	ssyncset.done $0x0  }
0x3b: {  	[sflag:s8] =	ssyncadd.s32 $0xFFFFFFF0  }
0x3c: {  	_ =	sfence.sel $0x180000  }
0x3d: {  	[bflag:$0x0] =	sbarrier.arrive $0xFFFF  }
0x3e: {  	p0 =	sne.s32 s0, $0x0;
	_ =	strace $0x90000047  }
0x3f: {  	s0 =	sadd.s32 @!p0 $0x100000, s1;
	[bflag:$0x2] =	sbarrier.arrive $0xFFFF  }
0x40: {  	[sflag:s0] =	ssyncadd.tile.s32 @!p0 $0x1;
	_ =	shalt  }
.Lfunc_end2:
_tile_overlayer_lowered:
.L_overlay_start_2:
0x41: {  	(tag) =	ssettag $0x2  }
0x42: {  	s0 =	rddreg [dreg:$0x0];
	s2 =	stileid.u32  }
0x43: {  	s1 =	rddreg [dreg:$0x1];
	p0 =	sne.s32 s2, $0x0  }
0x44: {  	s3 =	rddreg [dreg:$0x2];
	[bflag:$0x3] =	sbarrier.arrive $0xFFFF;
	s2 =	simm.s32 @!p0 $0x1C03  }
0x45: {  	[timem:s3], [sflag:s2] =	dma.local @!p0 [hbm:s0], s1  }
0x46: {  	s0 =	simm.s32 @!p0 $0x3  }
0x47: {  	_ =	swait.ge @!p0 [sflag:s0], s1  }
0x48: {  	s1 =	ssub.s32 @!p0 $0x0, s1;
	[sflag:s0] =	ssyncset.done @!p0 $0x0  }
0x49: {  	[sflag:s0] =	ssyncadd.s32 @!p0 s1  }
0x4a: {  	[bflag:$0x3] =	sbarrier.arrive $0xFFFF  }
0x4b: {  	_ =	shalt  }

</sc_bundles>
